<compile_context>
chip_gen: v7x
topology: tpu7x:2x2x1
jax: 0.10.2.dev20260603
libtpu: 0.0.44.dev20260713+nightly
codegen_flags: <defaults>
</compile_context>

<pallas_src>
import functools

import jax
import jax.numpy as jnp
from jax import lax
from jax.experimental import pallas as pl
from jax.experimental.pallas import tpu as pltpu
from jax.experimental.pallas import tpu_sc as plsc

_NUM_EXPERTS = 16
_CAPACITY = 256
_TOKENS = 8192
_DMODEL = 2048
_BLOCK_ROWS = 1024
_GRID = _TOKENS // _BLOCK_ROWS

_TC_ROWS = 4096
_SC_ROWS = _TOKENS - _TC_ROWS
_NW = 32
_ROWS_PER_W = _SC_ROWS // _NW
_CHUNK = 16
_N_CHUNKS = _ROWS_PER_W // _CHUNK
_TC_GRID = _TC_ROWS // _BLOCK_ROWS


def _gating_body(x_ref, w_ref, gates_ref, idx_ref, usage_ref, loss_ref):
    i = pl.program_id(0)
    x = x_ref[...]
    w = w_ref[...]
    logits = jnp.dot(x, w, preferred_element_type=jnp.float32)

    m1 = jnp.max(logits, axis=-1, keepdims=True)
    e = jnp.exp(logits - m1)
    s = jnp.sum(e, axis=-1, keepdims=True)
    probs = e / s

    lane = jax.lax.broadcasted_iota(jnp.int32, logits.shape, 1)
    i1 = jnp.min(jnp.where(logits == m1, lane, _NUM_EXPERTS), axis=-1,
                 keepdims=True)
    masked = jnp.where(lane == i1, -jnp.inf, logits)
    m2 = jnp.max(masked, axis=-1, keepdims=True)
    i2 = jnp.min(jnp.where(masked == m2, lane, _NUM_EXPERTS), axis=-1,
                 keepdims=True)

    p1 = jnp.max(probs, axis=-1, keepdims=True)
    p2 = jnp.max(jnp.where(lane == i1, -1.0, probs), axis=-1, keepdims=True)
    denom = p1 + p2
    g1 = p1 / denom
    g2 = p2 / denom

    two = jax.lax.broadcasted_iota(jnp.int32, (_BLOCK_ROWS, 2), 1)
    gates_ref[...] = jnp.where(two == 0, g1, g2)
    idx_ref[...] = jnp.where(two == 0, i1, i2)

    part = jnp.sum(probs, axis=0, keepdims=True)

    @pl.when(i == 0)
    def _init():
        usage_ref[...] = part

    @pl.when(i > 0)
    def _acc():
        usage_ref[...] += part

    @pl.when(i == _GRID - 1)
    def _loss():
        usage = usage_ref[...] / _TOKENS
        loss_ref[...] = jnp.sum(usage * jnp.log(usage * _NUM_EXPERTS),
                                keepdims=True).reshape(1, 1)


def _make_sc_fill():
    mesh = plsc.VectorSubcoreMesh(core_axis_name="c", subcore_axis_name="s")

    @functools.partial(
        pl.kernel,
        out_type=jax.ShapeDtypeStruct((_TOKENS, _NUM_EXPERTS, _CAPACITY),
                                      jnp.float32),
        mesh=mesh,
        scratch_types=[
            pltpu.VMEM((_CHUNK, _NUM_EXPERTS, _CAPACITY), jnp.float32),
            pltpu.SemaphoreType.DMA,
        ],
    )
    def _fill(z_hbm, out_hbm, buf, sem):
        wid = lax.axis_index("s") * 2 + lax.axis_index("c")
        base = _TC_ROWS + wid * _ROWS_PER_W
        pltpu.sync_copy(z_hbm, buf)
        handles = [
            pltpu.async_copy(
                buf, out_hbm.at[pl.ds(base + j * _CHUNK, _CHUNK)], sem)
            for j in range(_N_CHUNKS)
        ]
        for h in handles:
            h.wait()

    return _fill


_sc_fill = _make_sc_fill()


def _tc_fill_body(disp_in_ref, disp_ref):
    i = pl.program_id(0)

    @pl.when(i < 2)
    def _z():
        disp_ref[...] = jnp.zeros_like(disp_ref)


@functools.partial(jax.jit)
def kernel(x, W):
    gates, idx, _, loss = pl.pallas_call(
        _gating_body,
        grid=(_GRID,),
        in_specs=[
            pl.BlockSpec((_BLOCK_ROWS, _DMODEL), lambda i: (i, 0)),
            pl.BlockSpec((_DMODEL, _NUM_EXPERTS), lambda i: (0, 0)),
        ],
        out_specs=[
            pl.BlockSpec((_BLOCK_ROWS, 2), lambda i: (i, 0)),
            pl.BlockSpec((_BLOCK_ROWS, 2), lambda i: (i, 0)),
            pl.BlockSpec((1, _NUM_EXPERTS), lambda i: (0, 0)),
            pl.BlockSpec((1, 1), lambda i: (0, 0)),
        ],
        out_shape=[
            jax.ShapeDtypeStruct((_TOKENS, 2), jnp.float32),
            jax.ShapeDtypeStruct((_TOKENS, 2), jnp.int32),
            jax.ShapeDtypeStruct((1, _NUM_EXPERTS), jnp.float32),
            jax.ShapeDtypeStruct((1, 1), jnp.float32),
        ],
    )(x, W)

    z = jnp.zeros((_CHUNK, _NUM_EXPERTS, _CAPACITY), dtype=x.dtype)
    disp_half = _sc_fill(z)

    disp = pl.pallas_call(
        _tc_fill_body,
        grid=(_TC_GRID,),
        in_specs=[pl.BlockSpec(memory_space=pl.ANY)],
        out_specs=pl.BlockSpec((_BLOCK_ROWS, _NUM_EXPERTS, _CAPACITY),
                               lambda i: (i, 0, 0)),
        out_shape=jax.ShapeDtypeStruct((_TOKENS, _NUM_EXPERTS, _CAPACITY),
                                       jnp.float32),
        input_output_aliases={0: 0},
    )(disp_half)

    return gates, idx, disp, loss.reshape(())

# --- scband reference (transcript-rebuilt; emitter-appended) ---
"""Pipeline reference for scband-expert-gating-53266184405704 (READ-ONLY COPY).

The authoritative reference and input builder live on the scoring server;
editing this copy changes nothing except your own understanding.
"""

import jax, jax.numpy as jnp
import numpy as np

NUM_EXPERTS = 16
EXPERT_CAPACITY = 256


def setup_inputs(seed: int = 0) -> dict:
    key = jax.random.key(seed)
    k1, k2 = jax.random.split(key)
    x = jax.random.normal(k1, (8192, 2048), dtype=jnp.float32)
    W = jax.random.normal(k2, (2048, NUM_EXPERTS), dtype=jnp.float32) * (1.0 / jnp.sqrt(2048.0))
    return {"x": x, "W": W}


def reference(x, W):
    # Router logits: hk.Linear(num_experts, with_bias=False)
    router_logits = jnp.dot(x, W)
    # noise_std = 0.0 -> noise branch skipped; expert_mask is None
    router_probs = jax.nn.softmax(router_logits, axis=-1)
    top_k_gates, top_k_indices = jax.lax.top_k(router_probs, k=2)
    gates_sum = jnp.sum(top_k_gates, axis=-1, keepdims=True)
    top_k_gates = top_k_gates / gates_sum
    dispatch_tensor = jnp.zeros((x.shape[0], NUM_EXPERTS, EXPERT_CAPACITY), dtype=x.dtype)
    # use_balancing=True and is_training=True
    expert_usage = jnp.mean(router_probs, axis=0)
    target_usage = jnp.ones_like(expert_usage) / NUM_EXPERTS
    balancing_loss = jnp.sum(expert_usage * jnp.log(expert_usage / target_usage))
    return (top_k_gates, top_k_indices, dispatch_tensor, balancing_loss)

if __name__ == "__main__":
    import jax
    _d = setup_inputs()
    print(jax.jit(kernel)(*tuple(_d.values())))

</pallas_src>

<mosaic_0001>
#map = affine_map<(d0, d1) -> (0, 0, 0)>
module attributes {stable_mosaic.version = 14 : i64} {
  func.func @_fill(%arg0: i32, %arg1: i32, %arg2: memref<16x16x256xf32, #tpu.memory_space<hbm>>, %arg3: memref<8192x16x256xf32, #tpu.memory_space<hbm>>, %arg4: memref<16x16x256xf32, #tpu.memory_space<vmem>>, %arg5: memref<!tpu.dma_semaphore, #tpu.memory_space<semaphore_mem>>) attributes {dimension_semantics = [#tpu.dimension_semantics<core_parallel>, #tpu.dimension_semantics<subcore_parallel>], iteration_bounds = array<i64: 2, 16>, scalar_prefetch = 0 : i64, scratch_operands = 2 : i64, tpu.core_type = #tpu.core_type<sc_vector_subcore>, window_params = [{transform_indices = #map}, {transform_indices = #map}]} {
    %mul3A = arith.constant 2 : i32
    %mul3A_0 = arith.muli %arg1, %mul3A : i32
    %add3A = arith.addi %mul3A_0, %arg0 : i32
    %mul3A_1 = arith.constant 128 : i32
    %mul3A_2 = arith.muli %add3A, %mul3A_1 : i32
    %add3A_3 = arith.constant 4096 : i32
    %add3A_4 = arith.addi %add3A_3, %mul3A_2 : i32
    "tpu.region"() ({
      %run_scoped3A = tpu.sem_alloc : memref<!tpu.dma_semaphore, #tpu.memory_space<semaphore_mem>>
      tpu.enqueue_dma source(%arg2 : memref<16x16x256xf32, #tpu.memory_space<hbm>>) target(%arg4 : memref<16x16x256xf32, #tpu.memory_space<vmem>>) target_semaphore(%run_scoped3A : memref<!tpu.dma_semaphore, #tpu.memory_space<semaphore_mem>>)
      tpu.wait_dma2 semaphore(%run_scoped3A : memref<!tpu.dma_semaphore, #tpu.memory_space<semaphore_mem>>) src(%arg2 : memref<16x16x256xf32, #tpu.memory_space<hbm>>) dst(%arg4 : memref<16x16x256xf32, #tpu.memory_space<vmem>>)
      tpu.yield
    }) : () -> ()
    %add3A_5 = arith.constant 0 : i32
    %add3A_6 = arith.addi %add3A_4, %add3A_5 : i32
    %dma_start3A = arith.constant 0 : i32
    %dma_start3A_7 = arith.constant 0 : i32
    %dma_start3A_8 = tpu.memref_slice %arg3[%add3A_6, %dma_start3A, %dma_start3A_7] : memref<8192x16x256xf32, #tpu.memory_space<hbm>> -> memref<16x16x256xf32, #tpu.memory_space<hbm>>
    %dma_start3A_9 = arith.constant 0 : i32
    %dma_start3A_10 = arith.constant 0 : i32
    %dma_start3A_11 = tpu.memref_slice %arg3[%add3A_6, %dma_start3A_9, %dma_start3A_10] : memref<8192x16x256xf32, #tpu.memory_space<hbm>> -> memref<16x16x256xf32, #tpu.memory_space<hbm>>
    tpu.enqueue_dma source(%arg4 : memref<16x16x256xf32, #tpu.memory_space<vmem>>) target(%dma_start3A_11 : memref<16x16x256xf32, #tpu.memory_space<hbm>>) target_semaphore(%arg5 : memref<!tpu.dma_semaphore, #tpu.memory_space<semaphore_mem>>)
    %add3A_12 = arith.constant 16 : i32
    %add3A_13 = arith.addi %add3A_4, %add3A_12 : i32
    %dma_start3A_14 = arith.constant 0 : i32
    %dma_start3A_15 = arith.constant 0 : i32
    %dma_start3A_16 = tpu.memref_slice %arg3[%add3A_13, %dma_start3A_14, %dma_start3A_15] : memref<8192x16x256xf32, #tpu.memory_space<hbm>> -> memref<16x16x256xf32, #tpu.memory_space<hbm>>
    %dma_start3A_17 = arith.constant 0 : i32
    %dma_start3A_18 = arith.constant 0 : i32
    %dma_start3A_19 = tpu.memref_slice %arg3[%add3A_13, %dma_start3A_17, %dma_start3A_18] : memref<8192x16x256xf32, #tpu.memory_space<hbm>> -> memref<16x16x256xf32, #tpu.memory_space<hbm>>
    tpu.enqueue_dma source(%arg4 : memref<16x16x256xf32, #tpu.memory_space<vmem>>) target(%dma_start3A_19 : memref<16x16x256xf32, #tpu.memory_space<hbm>>) target_semaphore(%arg5 : memref<!tpu.dma_semaphore, #tpu.memory_space<semaphore_mem>>)
    %add3A_20 = arith.constant 32 : i32
    %add3A_21 = arith.addi %add3A_4, %add3A_20 : i32
    %dma_start3A_22 = arith.constant 0 : i32
    %dma_start3A_23 = arith.constant 0 : i32
    %dma_start3A_24 = tpu.memref_slice %arg3[%add3A_21, %dma_start3A_22, %dma_start3A_23] : memref<8192x16x256xf32, #tpu.memory_space<hbm>> -> memref<16x16x256xf32, #tpu.memory_space<hbm>>
    %dma_start3A_25 = arith.constant 0 : i32
    %dma_start3A_26 = arith.constant 0 : i32
    %dma_start3A_27 = tpu.memref_slice %arg3[%add3A_21, %dma_start3A_25, %dma_start3A_26] : memref<8192x16x256xf32, #tpu.memory_space<hbm>> -> memref<16x16x256xf32, #tpu.memory_space<hbm>>
    tpu.enqueue_dma source(%arg4 : memref<16x16x256xf32, #tpu.memory_space<vmem>>) target(%dma_start3A_27 : memref<16x16x256xf32, #tpu.memory_space<hbm>>) target_semaphore(%arg5 : memref<!tpu.dma_semaphore, #tpu.memory_space<semaphore_mem>>)
    %add3A_28 = arith.constant 48 : i32
    %add3A_29 = arith.addi %add3A_4, %add3A_28 : i32
    %dma_start3A_30 = arith.constant 0 : i32
    %dma_start3A_31 = arith.constant 0 : i32
    %dma_start3A_32 = tpu.memref_slice %arg3[%add3A_29, %dma_start3A_30, %dma_start3A_31] : memref<8192x16x256xf32, #tpu.memory_space<hbm>> -> memref<16x16x256xf32, #tpu.memory_space<hbm>>
    %dma_start3A_33 = arith.constant 0 : i32
    %dma_start3A_34 = arith.constant 0 : i32
    %dma_start3A_35 = tpu.memref_slice %arg3[%add3A_29, %dma_start3A_33, %dma_start3A_34] : memref<8192x16x256xf32, #tpu.memory_space<hbm>> -> memref<16x16x256xf32, #tpu.memory_space<hbm>>
    tpu.enqueue_dma source(%arg4 : memref<16x16x256xf32, #tpu.memory_space<vmem>>) target(%dma_start3A_35 : memref<16x16x256xf32, #tpu.memory_space<hbm>>) target_semaphore(%arg5 : memref<!tpu.dma_semaphore, #tpu.memory_space<semaphore_mem>>)
    %add3A_36 = arith.constant 64 : i32
    %add3A_37 = arith.addi %add3A_4, %add3A_36 : i32
    %dma_start3A_38 = arith.constant 0 : i32
    %dma_start3A_39 = arith.constant 0 : i32
    %dma_start3A_40 = tpu.memref_slice %arg3[%add3A_37, %dma_start3A_38, %dma_start3A_39] : memref<8192x16x256xf32, #tpu.memory_space<hbm>> -> memref<16x16x256xf32, #tpu.memory_space<hbm>>
    %dma_start3A_41 = arith.constant 0 : i32
    %dma_start3A_42 = arith.constant 0 : i32
    %dma_start3A_43 = tpu.memref_slice %arg3[%add3A_37, %dma_start3A_41, %dma_start3A_42] : memref<8192x16x256xf32, #tpu.memory_space<hbm>> -> memref<16x16x256xf32, #tpu.memory_space<hbm>>
    tpu.enqueue_dma source(%arg4 : memref<16x16x256xf32, #tpu.memory_space<vmem>>) target(%dma_start3A_43 : memref<16x16x256xf32, #tpu.memory_space<hbm>>) target_semaphore(%arg5 : memref<!tpu.dma_semaphore, #tpu.memory_space<semaphore_mem>>)
    %add3A_44 = arith.constant 80 : i32
    %add3A_45 = arith.addi %add3A_4, %add3A_44 : i32
    %dma_start3A_46 = arith.constant 0 : i32
    %dma_start3A_47 = arith.constant 0 : i32
    %dma_start3A_48 = tpu.memref_slice %arg3[%add3A_45, %dma_start3A_46, %dma_start3A_47] : memref<8192x16x256xf32, #tpu.memory_space<hbm>> -> memref<16x16x256xf32, #tpu.memory_space<hbm>>
    %dma_start3A_49 = arith.constant 0 : i32
    %dma_start3A_50 = arith.constant 0 : i32
    %dma_start3A_51 = tpu.memref_slice %arg3[%add3A_45, %dma_start3A_49, %dma_start3A_50] : memref<8192x16x256xf32, #tpu.memory_space<hbm>> -> memref<16x16x256xf32, #tpu.memory_space<hbm>>
    tpu.enqueue_dma source(%arg4 : memref<16x16x256xf32, #tpu.memory_space<vmem>>) target(%dma_start3A_51 : memref<16x16x256xf32, #tpu.memory_space<hbm>>) target_semaphore(%arg5 : memref<!tpu.dma_semaphore, #tpu.memory_space<semaphore_mem>>)
    %add3A_52 = arith.constant 96 : i32
    %add3A_53 = arith.addi %add3A_4, %add3A_52 : i32
    %dma_start3A_54 = arith.constant 0 : i32
    %dma_start3A_55 = arith.constant 0 : i32
    %dma_start3A_56 = tpu.memref_slice %arg3[%add3A_53, %dma_start3A_54, %dma_start3A_55] : memref<8192x16x256xf32, #tpu.memory_space<hbm>> -> memref<16x16x256xf32, #tpu.memory_space<hbm>>
    %dma_start3A_57 = arith.constant 0 : i32
    %dma_start3A_58 = arith.constant 0 : i32
    %dma_start3A_59 = tpu.memref_slice %arg3[%add3A_53, %dma_start3A_57, %dma_start3A_58] : memref<8192x16x256xf32, #tpu.memory_space<hbm>> -> memref<16x16x256xf32, #tpu.memory_space<hbm>>
    tpu.enqueue_dma source(%arg4 : memref<16x16x256xf32, #tpu.memory_space<vmem>>) target(%dma_start3A_59 : memref<16x16x256xf32, #tpu.memory_space<hbm>>) target_semaphore(%arg5 : memref<!tpu.dma_semaphore, #tpu.memory_space<semaphore_mem>>)
    %add3A_60 = arith.constant 112 : i32
    %add3A_61 = arith.addi %add3A_4, %add3A_60 : i32
    %dma_start3A_62 = arith.constant 0 : i32
    %dma_start3A_63 = arith.constant 0 : i32
    %dma_start3A_64 = tpu.memref_slice %arg3[%add3A_61, %dma_start3A_62, %dma_start3A_63] : memref<8192x16x256xf32, #tpu.memory_space<hbm>> -> memref<16x16x256xf32, #tpu.memory_space<hbm>>
    %dma_start3A_65 = arith.constant 0 : i32
    %dma_start3A_66 = arith.constant 0 : i32
    %dma_start3A_67 = tpu.memref_slice %arg3[%add3A_61, %dma_start3A_65, %dma_start3A_66] : memref<8192x16x256xf32, #tpu.memory_space<hbm>> -> memref<16x16x256xf32, #tpu.memory_space<hbm>>
    tpu.enqueue_dma source(%arg4 : memref<16x16x256xf32, #tpu.memory_space<vmem>>) target(%dma_start3A_67 : memref<16x16x256xf32, #tpu.memory_space<hbm>>) target_semaphore(%arg5 : memref<!tpu.dma_semaphore, #tpu.memory_space<semaphore_mem>>)
    %dma_wait3A = arith.constant 0 : i32
    %dma_wait3A_68 = arith.constant 0 : i32
    %dma_wait3A_69 = tpu.memref_slice %arg3[%add3A_6, %dma_wait3A, %dma_wait3A_68] : memref<8192x16x256xf32, #tpu.memory_space<hbm>> -> memref<16x16x256xf32, #tpu.memory_space<hbm>>
    %dma_wait3A_70 = arith.constant 0 : i32
    %dma_wait3A_71 = arith.constant 0 : i32
    %dma_wait3A_72 = tpu.memref_slice %arg3[%add3A_6, %dma_wait3A_70, %dma_wait3A_71] : memref<8192x16x256xf32, #tpu.memory_space<hbm>> -> memref<16x16x256xf32, #tpu.memory_space<hbm>>
    tpu.wait_dma2 semaphore(%arg5 : memref<!tpu.dma_semaphore, #tpu.memory_space<semaphore_mem>>) src(%arg4 : memref<16x16x256xf32, #tpu.memory_space<vmem>>) dst(%dma_wait3A_72 : memref<16x16x256xf32, #tpu.memory_space<hbm>>)
    %dma_wait3A_73 = arith.constant 0 : i32
    %dma_wait3A_74 = arith.constant 0 : i32
    %dma_wait3A_75 = tpu.memref_slice %arg3[%add3A_13, %dma_wait3A_73, %dma_wait3A_74] : memref<8192x16x256xf32, #tpu.memory_space<hbm>> -> memref<16x16x256xf32, #tpu.memory_space<hbm>>
    %dma_wait3A_76 = arith.constant 0 : i32
    %dma_wait3A_77 = arith.constant 0 : i32
    %dma_wait3A_78 = tpu.memref_slice %arg3[%add3A_13, %dma_wait3A_76, %dma_wait3A_77] : memref<8192x16x256xf32, #tpu.memory_space<hbm>> -> memref<16x16x256xf32, #tpu.memory_space<hbm>>
    tpu.wait_dma2 semaphore(%arg5 : memref<!tpu.dma_semaphore, #tpu.memory_space<semaphore_mem>>) src(%arg4 : memref<16x16x256xf32, #tpu.memory_space<vmem>>) dst(%dma_wait3A_78 : memref<16x16x256xf32, #tpu.memory_space<hbm>>)
    %dma_wait3A_79 = arith.constant 0 : i32
    %dma_wait3A_80 = arith.constant 0 : i32
    %dma_wait3A_81 = tpu.memref_slice %arg3[%add3A_21, %dma_wait3A_79, %dma_wait3A_80] : memref<8192x16x256xf32, #tpu.memory_space<hbm>> -> memref<16x16x256xf32, #tpu.memory_space<hbm>>
    %dma_wait3A_82 = arith.constant 0 : i32
    %dma_wait3A_83 = arith.constant 0 : i32
    %dma_wait3A_84 = tpu.memref_slice %arg3[%add3A_21, %dma_wait3A_82, %dma_wait3A_83] : memref<8192x16x256xf32, #tpu.memory_space<hbm>> -> memref<16x16x256xf32, #tpu.memory_space<hbm>>
    tpu.wait_dma2 semaphore(%arg5 : memref<!tpu.dma_semaphore, #tpu.memory_space<semaphore_mem>>) src(%arg4 : memref<16x16x256xf32, #tpu.memory_space<vmem>>) dst(%dma_wait3A_84 : memref<16x16x256xf32, #tpu.memory_space<hbm>>)
    %dma_wait3A_85 = arith.constant 0 : i32
    %dma_wait3A_86 = arith.constant 0 : i32
    %dma_wait3A_87 = tpu.memref_slice %arg3[%add3A_29, %dma_wait3A_85, %dma_wait3A_86] : memref<8192x16x256xf32, #tpu.memory_space<hbm>> -> memref<16x16x256xf32, #tpu.memory_space<hbm>>
    %dma_wait3A_88 = arith.constant 0 : i32
    %dma_wait3A_89 = arith.constant 0 : i32
    %dma_wait3A_90 = tpu.memref_slice %arg3[%add3A_29, %dma_wait3A_88, %dma_wait3A_89] : memref<8192x16x256xf32, #tpu.memory_space<hbm>> -> memref<16x16x256xf32, #tpu.memory_space<hbm>>
    tpu.wait_dma2 semaphore(%arg5 : memref<!tpu.dma_semaphore, #tpu.memory_space<semaphore_mem>>) src(%arg4 : memref<16x16x256xf32, #tpu.memory_space<vmem>>) dst(%dma_wait3A_90 : memref<16x16x256xf32, #tpu.memory_space<hbm>>)
    %dma_wait3A_91 = arith.constant 0 : i32
    %dma_wait3A_92 = arith.constant 0 : i32
    %dma_wait3A_93 = tpu.memref_slice %arg3[%add3A_37, %dma_wait3A_91, %dma_wait3A_92] : memref<8192x16x256xf32, #tpu.memory_space<hbm>> -> memref<16x16x256xf32, #tpu.memory_space<hbm>>
    %dma_wait3A_94 = arith.constant 0 : i32
    %dma_wait3A_95 = arith.constant 0 : i32
    %dma_wait3A_96 = tpu.memref_slice %arg3[%add3A_37, %dma_wait3A_94, %dma_wait3A_95] : memref<8192x16x256xf32, #tpu.memory_space<hbm>> -> memref<16x16x256xf32, #tpu.memory_space<hbm>>
    tpu.wait_dma2 semaphore(%arg5 : memref<!tpu.dma_semaphore, #tpu.memory_space<semaphore_mem>>) src(%arg4 : memref<16x16x256xf32, #tpu.memory_space<vmem>>) dst(%dma_wait3A_96 : memref<16x16x256xf32, #tpu.memory_space<hbm>>)
    %dma_wait3A_97 = arith.constant 0 : i32
    %dma_wait3A_98 = arith.constant 0 : i32
    %dma_wait3A_99 = tpu.memref_slice %arg3[%add3A_45, %dma_wait3A_97, %dma_wait3A_98] : memref<8192x16x256xf32, #tpu.memory_space<hbm>> -> memref<16x16x256xf32, #tpu.memory_space<hbm>>
    %dma_wait3A_100 = arith.constant 0 : i32
    %dma_wait3A_101 = arith.constant 0 : i32
    %dma_wait3A_102 = tpu.memref_slice %arg3[%add3A_45, %dma_wait3A_100, %dma_wait3A_101] : memref<8192x16x256xf32, #tpu.memory_space<hbm>> -> memref<16x16x256xf32, #tpu.memory_space<hbm>>
    tpu.wait_dma2 semaphore(%arg5 : memref<!tpu.dma_semaphore, #tpu.memory_space<semaphore_mem>>) src(%arg4 : memref<16x16x256xf32, #tpu.memory_space<vmem>>) dst(%dma_wait3A_102 : memref<16x16x256xf32, #tpu.memory_space<hbm>>)
    %dma_wait3A_103 = arith.constant 0 : i32
    %dma_wait3A_104 = arith.constant 0 : i32
    %dma_wait3A_105 = tpu.memref_slice %arg3[%add3A_53, %dma_wait3A_103, %dma_wait3A_104] : memref<8192x16x256xf32, #tpu.memory_space<hbm>> -> memref<16x16x256xf32, #tpu.memory_space<hbm>>
    %dma_wait3A_106 = arith.constant 0 : i32
    %dma_wait3A_107 = arith.constant 0 : i32
    %dma_wait3A_108 = tpu.memref_slice %arg3[%add3A_53, %dma_wait3A_106, %dma_wait3A_107] : memref<8192x16x256xf32, #tpu.memory_space<hbm>> -> memref<16x16x256xf32, #tpu.memory_space<hbm>>
    tpu.wait_dma2 semaphore(%arg5 : memref<!tpu.dma_semaphore, #tpu.memory_space<semaphore_mem>>) src(%arg4 : memref<16x16x256xf32, #tpu.memory_space<vmem>>) dst(%dma_wait3A_108 : memref<16x16x256xf32, #tpu.memory_space<hbm>>)
    %dma_wait3A_109 = arith.constant 0 : i32
    %dma_wait3A_110 = arith.constant 0 : i32
    %dma_wait3A_111 = tpu.memref_slice %arg3[%add3A_61, %dma_wait3A_109, %dma_wait3A_110] : memref<8192x16x256xf32, #tpu.memory_space<hbm>> -> memref<16x16x256xf32, #tpu.memory_space<hbm>>
    %dma_wait3A_112 = arith.constant 0 : i32
    %dma_wait3A_113 = arith.constant 0 : i32
    %dma_wait3A_114 = tpu.memref_slice %arg3[%add3A_61, %dma_wait3A_112, %dma_wait3A_113] : memref<8192x16x256xf32, #tpu.memory_space<hbm>> -> memref<16x16x256xf32, #tpu.memory_space<hbm>>
    tpu.wait_dma2 semaphore(%arg5 : memref<!tpu.dma_semaphore, #tpu.memory_space<semaphore_mem>>) src(%arg4 : memref<16x16x256xf32, #tpu.memory_space<vmem>>) dst(%dma_wait3A_114 : memref<16x16x256xf32, #tpu.memory_space<hbm>>)
    return
  }
}

module attributes {stable_mosaic.version = 14 : i64} {
  func.func @_gating_body(%arg0: i32, %arg1: memref<1024x2048xf32, #tpu.memory_space<vmem>>, %arg2: memref<2048x16xf32, #tpu.memory_space<vmem>>, %arg3: memref<1024x2xf32, #tpu.memory_space<vmem>>, %arg4: memref<1024x2xi32, #tpu.memory_space<vmem>>, %arg5: memref<1x16xf32, #tpu.memory_space<vmem>>, %arg6: memref<1x1xf32, #tpu.memory_space<vmem>>) attributes {dimension_semantics = [#tpu.dimension_semantics<arbitrary>], iteration_bounds = array<i64: 8>, scalar_prefetch = 0 : i64, scratch_operands = 0 : i64, tpu.core_type = #tpu.core_type<tc>, window_params = [{transform_indices = @transform_0, window_bounds = array<i64: 1024, 2048>}, {pipeline_mode = #tpu.pipeline_mode<synchronous>, transform_indices = @transform_1, window_bounds = array<i64: 2048, 16>}, {transform_indices = @transform_2, window_bounds = array<i64: 1024, 2>}, {transform_indices = @transform_3, window_bounds = array<i64: 1024, 2>}, {pipeline_mode = #tpu.pipeline_mode<synchronous>, transform_indices = @transform_4, window_bounds = array<i64: 1, 16>}, {pipeline_mode = #tpu.pipeline_mode<synchronous>, transform_indices = @transform_5, window_bounds = array<i64: 1, 1>}]} {
    %get3A = arith.constant 0 : index
    %get3A_0 = arith.constant 0 : index
    %get3A_1 = vector.load %arg1[%get3A, %get3A_0] : memref<1024x2048xf32, #tpu.memory_space<vmem>>, vector<1024x2048xf32>
    %get3A_2 = arith.constant 0 : index
    %get3A_3 = arith.constant 0 : index
    %get3A_4 = vector.load %arg2[%get3A_2, %get3A_3] : memref<2048x16xf32, #tpu.memory_space<vmem>>, vector<2048x16xf32>
    %dot_general3A = arith.constant dense<0.000000e+00> : vector<1024x16xf32>
    %dot_general3A_5 = tpu.matmul %get3A_1, %get3A_4, %dot_general3A {dimension_numbers = #tpu.dot_dimension_numbers<[1], [0], [0], [1], [0, 0, 1, 1], [], []>, transpose_lhs_hint = false} : vector<1024x2048xf32>, vector<2048x16xf32>, vector<1024x16xf32> -> vector<1024x16xf32>
    %reduce_max3A = arith.constant dense<0xFF800000> : vector<1024xf32>
    %reduce_max3A_6 = vector.multi_reduction <maximumf>, %dot_general3A_5, %reduce_max3A [1] : vector<1024x16xf32> to vector<1024xf32>
    %broadcast_in_dim3A = vector.shape_cast %reduce_max3A_6 : vector<1024xf32> to vector<1024x1xf32>
    %sub3A = vector.broadcast %broadcast_in_dim3A : vector<1024x1xf32> to vector<1024x16xf32>
    %sub3A_7 = arith.subf %dot_general3A_5, %sub3A : vector<1024x16xf32>
    %exp3A = math.exp %sub3A_7 : vector<1024x16xf32>
    %reduce_sum3A = arith.constant dense<0.000000e+00> : vector<1024xf32>
    %reduce_sum3A_8 = vector.multi_reduction <add>, %exp3A, %reduce_sum3A [1] : vector<1024x16xf32> to vector<1024xf32>
    %broadcast_in_dim3A_9 = vector.shape_cast %reduce_sum3A_8 : vector<1024xf32> to vector<1024x1xf32>
    %div3A = vector.broadcast %broadcast_in_dim3A_9 : vector<1024x1xf32> to vector<1024x16xf32>
    %div3A_10 = arith.divf %exp3A, %div3A : vector<1024x16xf32>
    %iota3A = tpu.iota {dimensions = array<i32: 1>} : vector<1024x16xi32>
    %eq3A = vector.broadcast %broadcast_in_dim3A : vector<1024x1xf32> to vector<1024x16xf32>
    %eq3A_11 = arith.cmpf oeq, %dot_general3A_5, %eq3A : vector<1024x16xf32>
    %jit3A = arith.constant 16 : i32
    %broadcast_in_dim3A_12 = vector.broadcast %jit3A : i32 to vector<1024x16xi32>
    %select_n3A = arith.select %eq3A_11, %iota3A, %broadcast_in_dim3A_12 : vector<1024x16xi1>, vector<1024x16xi32>
    %reduce_min3A = arith.constant dense<2147483647> : vector<1024xi32>
    %reduce_min3A_13 = vector.multi_reduction <minsi>, %select_n3A, %reduce_min3A [1] : vector<1024x16xi32> to vector<1024xi32>
    %broadcast_in_dim3A_14 = vector.shape_cast %reduce_min3A_13 : vector<1024xi32> to vector<1024x1xi32>
    %eq3A_15 = vector.broadcast %broadcast_in_dim3A_14 : vector<1024x1xi32> to vector<1024x16xi32>
    %eq3A_16 = arith.cmpi eq, %iota3A, %eq3A_15 : vector<1024x16xi32>
    %jit3A_17 = arith.constant 0xFF800000 : f32
    %broadcast_in_dim3A_18 = vector.broadcast %jit3A_17 : f32 to vector<1024x16xf32>
    %select_n3A_19 = arith.select %eq3A_16, %broadcast_in_dim3A_18, %dot_general3A_5 : vector<1024x16xi1>, vector<1024x16xf32>
    %reduce_max3A_20 = arith.constant dense<0xFF800000> : vector<1024xf32>
    %reduce_max3A_21 = vector.multi_reduction <maximumf>, %select_n3A_19, %reduce_max3A_20 [1] : vector<1024x16xf32> to vector<1024xf32>
    %broadcast_in_dim3A_22 = vector.shape_cast %reduce_max3A_21 : vector<1024xf32> to vector<1024x1xf32>
    %eq3A_23 = vector.broadcast %broadcast_in_dim3A_22 : vector<1024x1xf32> to vector<1024x16xf32>
    %eq3A_24 = arith.cmpf oeq, %select_n3A_19, %eq3A_23 : vector<1024x16xf32>
    %jit3A_25 = arith.constant 16 : i32
    %broadcast_in_dim3A_26 = vector.broadcast %jit3A_25 : i32 to vector<1024x16xi32>
    %select_n3A_27 = arith.select %eq3A_24, %iota3A, %broadcast_in_dim3A_26 : vector<1024x16xi1>, vector<1024x16xi32>
    %reduce_min3A_28 = arith.constant dense<2147483647> : vector<1024xi32>
    %reduce_min3A_29 = vector.multi_reduction <minsi>, %select_n3A_27, %reduce_min3A_28 [1] : vector<1024x16xi32> to vector<1024xi32>
    %broadcast_in_dim3A_30 = vector.shape_cast %reduce_min3A_29 : vector<1024xi32> to vector<1024x1xi32>
    %reduce_max3A_31 = arith.constant dense<0xFF800000> : vector<1024xf32>
    %reduce_max3A_32 = vector.multi_reduction <maximumf>, %div3A_10, %reduce_max3A_31 [1] : vector<1024x16xf32> to vector<1024xf32>
    %broadcast_in_dim3A_33 = vector.shape_cast %reduce_max3A_32 : vector<1024xf32> to vector<1024x1xf32>
    %eq3A_34 = vector.broadcast %broadcast_in_dim3A_14 : vector<1024x1xi32> to vector<1024x16xi32>
    %eq3A_35 = arith.cmpi eq, %iota3A, %eq3A_34 : vector<1024x16xi32>
    %jit3A_36 = arith.constant -1.000000e+00 : f32
    %broadcast_in_dim3A_37 = vector.broadcast %jit3A_36 : f32 to vector<1024x16xf32>
    %select_n3A_38 = arith.select %eq3A_35, %broadcast_in_dim3A_37, %div3A_10 : vector<1024x16xi1>, vector<1024x16xf32>
    %reduce_max3A_39 = arith.constant dense<0xFF800000> : vector<1024xf32>
    %reduce_max3A_40 = vector.multi_reduction <maximumf>, %select_n3A_38, %reduce_max3A_39 [1] : vector<1024x16xf32> to vector<1024xf32>
    %broadcast_in_dim3A_41 = vector.shape_cast %reduce_max3A_40 : vector<1024xf32> to vector<1024x1xf32>
    %add3A = arith.addf %broadcast_in_dim3A_33, %broadcast_in_dim3A_41 : vector<1024x1xf32>
    %div3A_42 = arith.divf %broadcast_in_dim3A_33, %add3A : vector<1024x1xf32>
    %div3A_43 = arith.divf %broadcast_in_dim3A_41, %add3A : vector<1024x1xf32>
    %iota3A_44 = tpu.iota {dimensions = array<i32: 1>} : vector<1024x2xi32>
    %eq3A_45 = arith.constant 0 : i32
    %eq3A_46 = vector.broadcast %eq3A_45 : i32 to vector<1024x2xi32>
    %eq3A_47 = arith.cmpi eq, %iota3A_44, %eq3A_46 : vector<1024x2xi32>
    %broadcast_in_dim3A_48 = vector.shape_cast %div3A_42 : vector<1024x1xf32> to vector<1024x1xf32>
    %broadcast_in_dim3A_49 = vector.broadcast %broadcast_in_dim3A_48 : vector<1024x1xf32> to vector<1024x2xf32>
    %broadcast_in_dim3A_50 = vector.shape_cast %div3A_43 : vector<1024x1xf32> to vector<1024x1xf32>
    %broadcast_in_dim3A_51 = vector.broadcast %broadcast_in_dim3A_50 : vector<1024x1xf32> to vector<1024x2xf32>
    %select_n3A_52 = arith.select %eq3A_47, %broadcast_in_dim3A_49, %broadcast_in_dim3A_51 : vector<1024x2xi1>, vector<1024x2xf32>
    %swap3A = arith.constant 0 : index
    %swap3A_53 = arith.constant 0 : index
    %swap3A_54 = vector.load %arg3[%swap3A, %swap3A_53] : memref<1024x2xf32, #tpu.memory_space<vmem>>, vector<1024x2xf32>
    tpu.vector_store %arg3[%swap3A, %swap3A_53], %select_n3A_52 {strides = array<i32>} : memref<1024x2xf32, #tpu.memory_space<vmem>>, vector<1024x2xf32>,
    %eq3A_55 = arith.constant 0 : i32
    %eq3A_56 = vector.broadcast %eq3A_55 : i32 to vector<1024x2xi32>
    %eq3A_57 = arith.cmpi eq, %iota3A_44, %eq3A_56 : vector<1024x2xi32>
    %broadcast_in_dim3A_58 = vector.shape_cast %broadcast_in_dim3A_14 : vector<1024x1xi32> to vector<1024x1xi32>
    %broadcast_in_dim3A_59 = vector.broadcast %broadcast_in_dim3A_58 : vector<1024x1xi32> to vector<1024x2xi32>
    %broadcast_in_dim3A_60 = vector.shape_cast %broadcast_in_dim3A_30 : vector<1024x1xi32> to vector<1024x1xi32>
    %broadcast_in_dim3A_61 = vector.broadcast %broadcast_in_dim3A_60 : vector<1024x1xi32> to vector<1024x2xi32>
    %select_n3A_62 = arith.select %eq3A_57, %broadcast_in_dim3A_59, %broadcast_in_dim3A_61 : vector<1024x2xi1>, vector<1024x2xi32>
    %swap3A_63 = arith.constant 0 : index
    %swap3A_64 = arith.constant 0 : index
    %swap3A_65 = vector.load %arg4[%swap3A_63, %swap3A_64] : memref<1024x2xi32, #tpu.memory_space<vmem>>, vector<1024x2xi32>
    tpu.vector_store %arg4[%swap3A_63, %swap3A_64], %select_n3A_62 {strides = array<i32>} : memref<1024x2xi32, #tpu.memory_space<vmem>>, vector<1024x2xi32>,
    %reduce_sum3A_66 = arith.constant dense<0.000000e+00> : vector<16xf32>
    %reduce_sum3A_67 = vector.multi_reduction <add>, %div3A_10, %reduce_sum3A_66 [0] : vector<1024x16xf32> to vector<16xf32>
    %broadcast_in_dim3A_68 = vector.shape_cast %reduce_sum3A_67 : vector<16xf32> to vector<1x16xf32>
    %eq3A_69 = arith.constant 0 : i32
    %eq3A_70 = arith.cmpi eq, %arg0, %eq3A_69 : i32
    %convert_element_type3A = arith.extui %eq3A_70 : i1 to i32
    %cond3A = arith.constant 0 : i32
    %cond3A_71 = arith.cmpi ne, %convert_element_type3A, %cond3A : i32
    scf.if %cond3A_71 {
      %swap3A_81 = arith.constant 0 : index
      %swap3A_82 = arith.constant 0 : index
      %swap3A_83 = vector.load %arg5[%swap3A_81, %swap3A_82] : memref<1x16xf32, #tpu.memory_space<vmem>>, vector<1x16xf32>
      tpu.vector_store %arg5[%swap3A_81, %swap3A_82], %broadcast_in_dim3A_68 {strides = array<i32>} : memref<1x16xf32, #tpu.memory_space<vmem>>, vector<1x16xf32>,
    } else {
    }
    %gt3A = arith.constant 0 : i32
    %gt3A_72 = arith.cmpi sgt, %arg0, %gt3A : i32
    %convert_element_type3A_73 = arith.extui %gt3A_72 : i1 to i32
    %cond3A_74 = arith.constant 0 : i32
    %cond3A_75 = arith.cmpi ne, %convert_element_type3A_73, %cond3A_74 : i32
    scf.if %cond3A_75 {
      %get3A_81 = arith.constant 0 : index
      %get3A_82 = arith.constant 0 : index
      %get3A_83 = vector.load %arg5[%get3A_81, %get3A_82] : memref<1x16xf32, #tpu.memory_space<vmem>>, vector<1x16xf32>
      %add3A_84 = arith.addf %get3A_83, %broadcast_in_dim3A_68 : vector<1x16xf32>
      %swap3A_85 = arith.constant 0 : index
      %swap3A_86 = arith.constant 0 : index
      %swap3A_87 = vector.load %arg5[%swap3A_85, %swap3A_86] : memref<1x16xf32, #tpu.memory_space<vmem>>, vector<1x16xf32>
      tpu.vector_store %arg5[%swap3A_85, %swap3A_86], %add3A_84 {strides = array<i32>} : memref<1x16xf32, #tpu.memory_space<vmem>>, vector<1x16xf32>,
    } else {
    }
    %eq3A_76 = arith.constant 7 : i32
    %eq3A_77 = arith.cmpi eq, %arg0, %eq3A_76 : i32
    %convert_element_type3A_78 = arith.extui %eq3A_77 : i1 to i32
    %cond3A_79 = arith.constant 0 : i32
    %cond3A_80 = arith.cmpi ne, %convert_element_type3A_78, %cond3A_79 : i32
    scf.if %cond3A_80 {
      %get3A_81 = arith.constant 0 : index
      %get3A_82 = arith.constant 0 : index
      %get3A_83 = vector.load %arg5[%get3A_81, %get3A_82] : memref<1x16xf32, #tpu.memory_space<vmem>>, vector<1x16xf32>
      %div3A_84 = arith.constant 8.192000e+03 : f32
      %div3A_85 = vector.broadcast %div3A_84 : f32 to vector<1x16xf32>
      %div3A_86 = arith.divf %get3A_83, %div3A_85 : vector<1x16xf32>
      %mul3A = arith.constant 1.600000e+01 : f32
      %mul3A_87 = vector.broadcast %mul3A : f32 to vector<1x16xf32>
      %mul3A_88 = arith.mulf %div3A_86, %mul3A_87 : vector<1x16xf32>
      %log3A = math.log %mul3A_88 : vector<1x16xf32>
      %mul3A_89 = arith.mulf %div3A_86, %log3A : vector<1x16xf32>
      %reduce_sum3A_90 = vector.shape_cast %mul3A_89 : vector<1x16xf32> to vector<1x1x16xf32>
      %reduce_sum3A_91 = arith.constant dense<0.000000e+00> : vector<1xf32>
      %reduce_sum3A_92 = vector.multi_reduction <add>, %reduce_sum3A_90, %reduce_sum3A_91 [1, 2] : vector<1x1x16xf32> to vector<1xf32>
      %reduce_sum3A_93 = vector.shape_cast %reduce_sum3A_92 : vector<1xf32> to vector<1x1x1xf32>
      %reduce_sum3A_94 = vector.extract %reduce_sum3A_93[0, 0, 0] : f32 from vector<1x1x1xf32>
      %broadcast_in_dim3A_95 = vector.broadcast %reduce_sum3A_94 : f32 to vector<1x1xf32>
      %swap3A_96 = arith.constant 0 : index
      %swap3A_97 = arith.constant 0 : index
      %swap3A_98 = vector.load %arg6[%swap3A_96, %swap3A_97] : memref<1x1xf32, #tpu.memory_space<vmem>>, vector<1x1xf32>
      tpu.vector_store %arg6[%swap3A_96, %swap3A_97], %broadcast_in_dim3A_95 {strides = array<i32>} : memref<1x1xf32, #tpu.memory_space<vmem>>, vector<1x1xf32>,
    } else {
    }
    return
  }
  func.func @transform_0(%arg0: i32) -> (i32, i32) {
    %c0_i32 = arith.constant 0 : i32
    %c0_i32_0 = arith.constant 0 : i32
    return %arg0, %c0_i32 : i32, i32
  }
  func.func @transform_1(%arg0: i32) -> (i32, i32) {
    %c0_i32 = arith.constant 0 : i32
    %c0_i32_0 = arith.constant 0 : i32
    %c0_i32_1 = arith.constant 0 : i32
    return %c0_i32, %c0_i32_0 : i32, i32
  }
  func.func @transform_2(%arg0: i32) -> (i32, i32) {
    %c0_i32 = arith.constant 0 : i32
    %c0_i32_0 = arith.constant 0 : i32
    return %arg0, %c0_i32 : i32, i32
  }
  func.func @transform_3(%arg0: i32) -> (i32, i32) {
    %c0_i32 = arith.constant 0 : i32
    %c0_i32_0 = arith.constant 0 : i32
    return %arg0, %c0_i32 : i32, i32
  }
  func.func @transform_4(%arg0: i32) -> (i32, i32) {
    %c0_i32 = arith.constant 0 : i32
    %c0_i32_0 = arith.constant 0 : i32
    %c0_i32_1 = arith.constant 0 : i32
    return %c0_i32, %c0_i32_0 : i32, i32
  }
  func.func @transform_5(%arg0: i32) -> (i32, i32) {
    %c0_i32 = arith.constant 0 : i32
    %c0_i32_0 = arith.constant 0 : i32
    %c0_i32_1 = arith.constant 0 : i32
    return %c0_i32, %c0_i32_0 : i32, i32
  }
}

module attributes {stable_mosaic.version = 14 : i64} {
  func.func @_tc_fill_body(%arg0: i32, %arg1: memref<8192x16x256xf32, #tpu.memory_space<any>>, %arg2: memref<1024x16x256xf32, #tpu.memory_space<vmem>>) attributes {dimension_semantics = [#tpu.dimension_semantics<arbitrary>], iteration_bounds = array<i64: 4>, scalar_prefetch = 0 : i64, scratch_operands = 0 : i64, tpu.core_type = #tpu.core_type<tc>, window_params = [{}, {transform_indices = @transform_1, window_bounds = array<i64: 1024, 16, 256>}]} {
    %lt3A = arith.constant 2 : i32
    %lt3A_0 = arith.cmpi slt, %arg0, %lt3A : i32
    %convert_element_type3A = arith.extui %lt3A_0 : i1 to i32
    %cond3A = arith.constant 0 : i32
    %cond3A_1 = arith.cmpi ne, %convert_element_type3A, %cond3A : i32
    scf.if %cond3A_1 {
      %broadcast_in_dim3A = arith.constant 0.000000e+00 : f32
      %broadcast_in_dim3A_2 = vector.broadcast %broadcast_in_dim3A : f32 to vector<1024x16x256xf32>
      %swap3A = arith.constant 0 : index
      %swap3A_3 = arith.constant 0 : index
      %swap3A_4 = arith.constant 0 : index
      %swap3A_5 = vector.load %arg2[%swap3A, %swap3A_3, %swap3A_4] : memref<1024x16x256xf32, #tpu.memory_space<vmem>>, vector<1024x16x256xf32>
      tpu.vector_store %arg2[%swap3A, %swap3A_3, %swap3A_4], %broadcast_in_dim3A_2 {strides = array<i32>} : memref<1024x16x256xf32, #tpu.memory_space<vmem>>, vector<1024x16x256xf32>,
    } else {
    }
    return
  }
  func.func @transform_1(%arg0: i32) -> (i32, i32, i32) {
    %c0_i32 = arith.constant 0 : i32
    %c0_i32_0 = arith.constant 0 : i32
    %c0_i32_1 = arith.constant 0 : i32
    return %arg0, %c0_i32, %c0_i32_0 : i32, i32, i32
  }
}

</mosaic_0001>

<sc_bundles>
// kernel: kernel.5.cloned.1.call-start
scs
__scs_entry_jumppad:
0x0: {  	(pc) =	sbr.rel $0x88, $3  }
0x1: {  	(tag) =	ssettag $0x0;
	lr =	simm.s32 $0x1  }
0x2: {  	[smem:$0x3F9F] =	sst lr;
	_ =	strace $0xD0000000  }
0x3: {  	_ = 	snop  }
0x4: {  	_ = 	snop  }
0x5: {  	_ = 	snop  }
0x6: {  	_ = 	snop  }
0x7: {  	_ = 	snop  }
__scs_overlays_trampoline_lowered:
0x8: {  	[smem:$0x3FAE] =	sst s0  }
0x9: {  	[smem:$0x3FAF] =	sst s1  }
0xa: {  	[smem:$0x3FB0] =	sst s2  }
0xb: {  	[smem:$0x3FB1] =	sst s3  }
0xc: {  	[smem:$0x3FB2] =	sst s4  }
0xd: {  	[smem:$0x3FB3] =	sst s5  }
0xe: {  	[smem:$0x3FB4] =	sst s6  }
0xf: {  	[smem:$0x3FB5] =	sst s7  }
0x10: {  	[smem:$0x3FB6] =	sst s8  }
0x11: {  	[smem:$0x3FB7] =	sst s9;
	s0 =	simm.s32 @!p0 $0x0  }
0x12: {  	s1 =	sld [smem:$0x3F9D];
	s0 =	simm.s32 @p0 $0x1  }
0x13: {  	[smem:$0x3FB8] =	sst s0;
	s0 =	simm.s32 @!p1 $0x0  }
0x14: {  	s2 =	sld [smem:$0x3F9C];
	s0 =	simm.s32 @p1 $0x1  }
0x15: {  	[smem:$0x3FB9] =	sst s0;
	s0 =	simm.s32 @!p2 $0x0  }
0x16: {  	s3 =	sld [smem:$0x3FDB];
	s0 =	simm.s32 @p2 $0x1  }
0x17: {  	s4 =	simm.s32 $0x1BF5;
	[smem:$0x3FBB] =	sst s0  }
0x18: {  	s0 =	sld [smem:$0x3F9E];
	_ =	swait.ge [sflag:s4], $0x0  }
0x19: {  	s7 =	sld [smem:$0x3F9F]  }
0x1a: {  	s8 =	sadd.s32 $0xFFFFE003, lr  }
0x1b: {  	s9 =	sadd.s32 $0xFFFFFEF7, lr;
	s5 =	simm.s32 $0xFFFFFFFF;
	p2 =	slt.u32 s8, $0xFFFFF086  }
0x1c: {  	p1 =	slt.u32 s9, $0xF7A;
	s5 =	simm.s32 @!p2 $0x0  }
0x1d: {  	s5 =	simm.s32 @p1 $0x1;
	p0 =	seq.s32 s7, s2  }
0x1e: {  	s7 =	smul.u32 @!p0 $0xF7A, s2;
	p2 =	seq.s32 @!p0 s5, $0x0  }
0x1f: {  	s9 =	smul.u32 $0xF7A, s1;
	s8 =	simm.s32 @!p0 $0x1BF5;
	p2 =	por !p2, p0  }
0x20: {  	[sflag:s8] =	ssyncset.s32 @!p0 $0xFFFFF086;
	s6 =	sadd.s32 @!p0 s3, s7;
	s7 =	simm.s32 @!p0 $0x108  }
0x21: {  	s3 =	sadd.s32 s3, s9;
	s6 =	sadd.s32 @!p0 $0x88, s6;
	s7 =	simm.s32 @p2 $0x1082  }
0x22: {  	[simem:s7], [sflag:s8] =	dma.local @!p0 [hbm:s6], $0xF7A  }
0x23: {  	s9 =	sor.u32 $0xD0000000, s2;
	s6 =	simm.s32 $0x108;
	_ =	swait.ge @!p0 [sflag:s8], $0x0  }
0x24: {  	s3 =	sadd.s32 $0x88, s3;
	s6 =	simm.s32 @!p1 $0x1082;
	[sflag:s4] =	ssyncset.s32 $0xFFFFF086  }
0x25: {  	[simem:s6], [sflag:s4] =	dma.local [hbm:s3], $0xF7A  }
0x26: {  	[smem:$0x3F9F] =	sst s1;
	(tag) =	ssettag s2;
	_ =	strace s9  }
0x27: {  	s1 =	sld [smem:$0x3FAF]  }
0x28: {  	s2 =	sld [smem:$0x3FB0]  }
0x29: {  	s4 =	sld [smem:$0x3FB2]  }
0x2a: {  	p0 =	seq.s32 s5, $0x0;
	s5 =	sld [smem:$0x3FB3]  }
0x2b: {  	s6 =	sld [smem:$0x3FB4]  }
0x2c: {  	s7 =	sld [smem:$0x3FB5]  }
0x2d: {  	s3 =	simm.s32 $0x108;
	s8 =	sld [smem:$0x3FB6]  }
0x2e: {  	s3 =	simm.s32 @!p0 $0x1082;
	s9 =	sld [smem:$0x3FB7]  }
0x2f: {  	lr =	sadd.s32 s0, s3;
	s0 =	sld [smem:$0x3FAE]  }
0x30: {  	s3 =	sld [smem:$0x3FB1]  }
0x31: {  	[smem:$0x3FBA] =	sst s10  }
0x32: {  	s10 =	sld [smem:$0x3FB8];
	_ =	sdelay $0x3  }
0x33: {  	p0 =	seq.s32 s10, $0x1;
	s10 =	sld [smem:$0x3FBA];
	_ =	sdelay $0x3  }
0x34: {  	[smem:$0x3FBA] =	sst s10  }
0x35: {  	s10 =	sld [smem:$0x3FB9];
	_ =	sdelay $0x3  }
0x36: {  	p1 =	seq.s32 s10, $0x1;
	s10 =	sld [smem:$0x3FBA];
	_ =	sdelay $0x3  }
0x37: {  	[smem:$0x3FBA] =	sst s10  }
0x38: {  	s10 =	sld [smem:$0x3FBB]  }
0x39: {  	_ = 	snop;
	(pc) =	sbr.ind lr, $3  }
0x3a: {  	_ = 	snop  }
0x3b: {  	_ = 	snop  }
0x3c: {  	p2 =	seq.s32 s10, $0x1;
	s10 =	sld [smem:$0x3FBA]  }
0x3d: {  	_ =	shalt  }
0x3e: {  	_ =	shalt  }
0x3f: {  	_ =	shalt  }
0x40: {  	_ =	shalt  }
0x41: {  	_ =	shalt  }
0x42: {  	_ =	shalt  }
0x43: {  	_ =	shalt  }
0x44: {  	_ =	shalt  }
0x45: {  	_ =	shalt  }
0x46: {  	_ =	shalt  }
0x47: {  	_ =	shalt  }
0x48: {  	_ =	shalt  }
0x49: {  	_ =	shalt  }
0x4a: {  	_ =	shalt  }
0x4b: {  	_ =	shalt  }
0x4c: {  	_ =	shalt  }
0x4d: {  	_ =	shalt  }
0x4e: {  	_ =	shalt  }
0x4f: {  	_ =	shalt  }
0x50: {  	_ =	shalt  }
0x51: {  	_ =	shalt  }
0x52: {  	_ =	shalt  }
0x53: {  	_ =	shalt  }
0x54: {  	_ =	shalt  }
0x55: {  	_ =	shalt  }
0x56: {  	_ =	shalt  }
0x57: {  	_ =	shalt  }
0x58: {  	_ =	shalt  }
0x59: {  	_ =	shalt  }
0x5a: {  	_ =	shalt  }
0x5b: {  	_ =	shalt  }
0x5c: {  	_ =	shalt  }
0x5d: {  	_ =	shalt  }
0x5e: {  	_ =	shalt  }
0x5f: {  	_ =	shalt  }
0x60: {  	_ =	shalt  }
0x61: {  	_ =	shalt  }
0x62: {  	_ =	shalt  }
0x63: {  	_ =	shalt  }
0x64: {  	_ =	shalt  }
0x65: {  	_ =	shalt  }
0x66: {  	_ =	shalt  }
0x67: {  	_ =	shalt  }
0x68: {  	_ =	shalt  }
0x69: {  	_ =	shalt  }
0x6a: {  	_ =	shalt  }
0x6b: {  	_ =	shalt  }
0x6c: {  	_ =	shalt  }
0x6d: {  	_ =	shalt  }
0x6e: {  	_ =	shalt  }
0x6f: {  	_ =	shalt  }
0x70: {  	_ =	shalt  }
0x71: {  	_ =	shalt  }
0x72: {  	_ =	shalt  }
0x73: {  	_ =	shalt  }
0x74: {  	_ =	shalt  }
0x75: {  	_ =	shalt  }
0x76: {  	_ =	shalt  }
0x77: {  	_ =	shalt  }
0x78: {  	_ =	shalt  }
0x79: {  	_ =	shalt  }
0x7a: {  	_ =	shalt  }
0x7b: {  	_ =	shalt  }
0x7c: {  	_ =	shalt  }
0x7d: {  	_ =	shalt  }
0x7e: {  	_ =	shalt  }
0x7f: {  	_ =	shalt  }
0x80: {  	_ =	shalt  }
0x81: {  	_ =	shalt  }
0x82: {  	_ =	shalt  }
0x83: {  	_ =	shalt  }
0x84: {  	_ =	shalt  }
0x85: {  	_ =	shalt  }
0x86: {  	_ =	shalt  }
0x87: {  	_ =	shalt  }
.Lfunc_end0:
.L_simem_size_0:
called_computation_lowered:
.L_overlay_start_0:
0x88: {  	s2 =	sld [smem:$0x3FD9]  }
0x89: {  	s3 =	sld [smem:$0x3FFE];
	_ =	sdelay $0x1  }
0x8a: {  	s1 =	srdreg.scid  }
0x8b: {  	s0 =	sand.u32 $0x1, s1  }
0x8c: {  	s14 =	sshll.u32 s0, $0xA;
	s2 =	sadd.s32 s3, s2  }
0x8d: {  	s2 =	sadd.s32 s2, s14  }
0x8e: {  	[smem:$0x3FC6] =	sst s2  }
0x8f: {  	_ = 	snop  }
0x90: {  	s2 =	sld [smem:$0x3FD0];
	_ =	sdelay $0x2  }
0x91: {  	s15 =	simm.s32 $0xA;
	s4 =	simm.s32 $0x10  }
0x92: {  	[smem:s4], [sflag:s15] =	dma.local [hbm:s2], $0x1  }
0x93: {  	_ =	swait.eq [sflag:s15], $0x1  }
0x94: {  	[sflag:s15] =	ssyncset.done $0x0  }
0x95: {  	[sflag:s15] =	ssyncadd.s32 $0xFFFFFFFF  }
0x96: {  	s16 =	sld [smem:$0x12];
	(tm) =	ssettm $0x1  }
0x97: {  	s17 =	sld [smem:$0x3FFB];
	_ =	sdelay $0x3  }
0x98: {  	_ =	strace s17  }
0x99: {  	s3 =	sld [smem:$0x3FFC];
	_ =	sdelay $0x3  }
0x9a: {  	_ =	strace s3  }
0x9b: {  	s3 =	sld [smem:$0x3FFD];
	_ =	sdelay $0x3  }
0x9c: {  	_ =	strace s3  }
0x9d: {  	_ =	strace $0x8FFFFFFF  }
0x9e: {  	s18 =	sld [smem:$0x3FDB];
	_ =	sdelay $0x1  }
0x9f: {  	s19 =	simm.s32 $_scs_section_size  }
0xa0: {  	s5 =	simm.s32 $_size__tile_overlayer_lowered;
	s6 =	simm.s32 $_tile_overlayer_lowered  }
0xa1: {  	s22 =	simm.s32 $0x1BFF;
	s21 =	sshll.u32 s6, $0x1;
	s3 =	sadd.s32 s19, s18  }
0xa2: {  	s7 =	simm.s32 $0x0;
	s20 =	sshll.u32 s5, $0x1;
	s5 =	sadd.s32 s21, s3  }
0xa3: {  	[timem:s7], [sflag:s22] =	dma.local [hbm:s5], s20  }
0xa4: {  	_ =	swait.ge [sflag:s22], s20  }
0xa5: {  	s4 =	ssub.s32 $0x0, s20;
	[sflag:s22] =	ssyncset.done $0x0  }
0xa6: {  	[sflag:s22] =	ssyncadd.s32 s4;
	_ =	sdelay $0x1  }
0xa7: {  	s23 =	simm.s32 $0x1B8B  }
0xa8: {  	_ =	swait.ge [sflag:s23], $0x1  }
0xa9: {  	[sflag:s23] =	ssyncset.done $0x0  }
0xaa: {  	s25 =	simm.s32 $0x1B8E;
	s24 =	sld [smem:$0x3FFE];
	[sflag:s23] =	ssyncadd.s32 $0xFFFFFFFF  }
0xab: {  	s26 =	simm.s32 $execute0_lowered;
	[smem:$0x3FD2] =	sst s25  }
0xac: {  	s5 =	sshll.u32 s26, $0x1;
	_ =	strace $0x80000046;
	[dreg:$0x1] =	wrdreg $0xFFFFFFFF  }
0xad: {  	s28 =	simm.s32 $_size_execute0_lowered;
	s3 =	sadd.s32 s3, s5;
	[dreg:$0x0] =	wrdreg $0x0  }
0xae: {  	s5 =	sshll.u32 s28, $0x1;
	[dreg:$0x2] =	wrdreg s3  }
0xaf: {  	[dreg:$0x3] =	wrdreg s5  }
0xb0: {  	[dreg:$0x4] =	wrdreg $0xC0  }
0xb1: {  	_ =	task [dreg:s7], $0x5FFFF  }
0xb2: {  	[dreg:$0x1] =	wrdreg $0xFFFFFFFF  }
0xb3: {  	[dreg:$0x0] =	wrdreg $0x60  }
0xb4: {  	[dreg:$0x2] =	wrdreg s24  }
0xb5: {  	[dreg:$0x3] =	wrdreg s16  }
0xb6: {  	[dreg:$0x4] =	wrdreg $0x9  }
0xb7: {  	_ =	task.clear_ibuf [dreg:s7], $0x5FFFF;
	_ =	strace $0x90000046  }
0xb8: {  	s29 =	simm.s32 $0x9;
	_ =	strace $0x80000048  }
0xb9: {  	_ =	swait.ge [sflag:s29], $0x1  }
0xba: {  	[sflag:s29] =	ssyncadd.s32 $0xFFFFFFFF  }
0xbb: {  	_ =	strace $0x90000048  }
0xbc: {  	_ =	sfence  }
0xbd: {  	s30 =	sld [smem:$0x0];
	_ =	sdelay $0x2  }
0xbe: {  	s31 =	sshll.u32 s1, $0xD;
	s1 =	sshrl.u32 s1, $0x2  }
0xbf: {  	s3 =	sand.u32 $0x4000, s31;
	s1 =	sadd.s32 s1, s30  }
0xc0: {  	s0 =	sor.u32 s3, s0;
	s1 =	sshll.u32 s1, $0x11  }
0xc1: {  	s0 =	sor.u32 s1, s0  }
0xc2: {  	s0 =	sadd.s32 $0x8F2B, s0  }
0xc3: {  	[sflag:s0] =	ssyncadd.remote.s32 $0x1  }
0xc4: {  	_ =	sfence.sel $0xFFFF  }
0xc5: {  	[dreg:$0x0] =	wrdreg $0xFFFFFFFF;
	(pc) =	sbr.abs _section_cstart, $3  }
0xc6: {  	[dreg:$0x1] =	wrdreg $0xFFFFFFFF  }
0xc7: {  	_ =	task.clear_ibuf [dreg:s7], $0x2FFFF;
	_ =	strace $0x9FFFFFFF  }
0xc8: {  	(tm) =	ssettm $0x7FFFFFFF  }
0xc9: {  	_ =	shalt  }
tec
execute0_lowered:
.L_overlay_start_1:
0x0: {  	(tag) =	ssettag $0x1  }
0x1: {  	s1 =	rddreg [dreg:$0x0]  }
0x2: {  	s5 =	rddreg [dreg:$0x1]  }
0x3: {  	s0 =	rddreg [dreg:$0x2];
	s2 =	simm.s32 $0x0  }
0x4: {  	s4 =	srdreg.scid;
	[smem:$0x7FF] =	sst s2;
	s3 =	sadd.s32 $0x800, s1  }
0x5: {  	s1 =	stileid.u32;
	s14 =	sand.u32 $0x1, s4;
	s4 =	simm.s32 $0x2  }
0x6: {  	_ =	strace $0x80000047;
	s6 =	sshll.u32 s1, $0x11;
	s7 =	sshll.u32 s14, $0x10  }
0x7: {  	[tilespmem:s2], [sflag:$0x2] =	stream.linear.gather [hbm4b:s3+s2], $0x10000, $0x38;
	[tilespmem:$0x10000] =	vst v63  }
0x8: {  	s6 =	sor.u32 s7, s6;
	_ =	swait.ge [sflag:s4], $0x10000  }
0x9: {  	s12 =	sadd.s32 s6, s5;
	[sflag:s4] =	ssyncset.done $0x0  }
0xa: {  	s5 =	sadd.s32 $0x200000, s12;
	[sflag:s4] =	ssyncadd.s32 $0xFFFF0000  }
0xb: {  	[hbm4b:s5+s2] =	stream.linear.scatter [tilespmem:s2], [sflag:$0x1], $0x10000, $0x38;
	[tilespmem:$0x10000] =	vst v63  }
0xc: {  	s6 =	sadd.s32 $0x202000, s12  }
0xd: {  	[hbm4b:s6+s2] =	stream.linear.scatter [tilespmem:s2], [sflag:$0x1], $0x10000, $0x38;
	[tilespmem:$0x10000] =	vst v63  }
0xe: {  	s7 =	sadd.s32 $0x204000, s12  }
0xf: {  	[hbm4b:s7+s2] =	stream.linear.scatter [tilespmem:s2], [sflag:$0x1], $0x10000, $0x38;
	[tilespmem:$0x10000] =	vst v63  }
0x10: {  	s8 =	sadd.s32 $0x206000, s12  }
0x11: {  	[hbm4b:s8+s2] =	stream.linear.scatter [tilespmem:s2], [sflag:$0x1], $0x10000, $0x38;
	[tilespmem:$0x10000] =	vst v63  }
0x12: {  	s9 =	sadd.s32 $0x208000, s12  }
0x13: {  	[hbm4b:s9+s2] =	stream.linear.scatter [tilespmem:s2], [sflag:$0x1], $0x10000, $0x38;
	[tilespmem:$0x10000] =	vst v63  }
0x14: {  	s10 =	sadd.s32 $0x20A000, s12  }
0x15: {  	[hbm4b:s10+s2] =	stream.linear.scatter [tilespmem:s2], [sflag:$0x1], $0x10000, $0x38;
	[tilespmem:$0x10000] =	vst v63  }
0x16: {  	s11 =	sadd.s32 $0x20C000, s12  }
0x17: {  	[hbm4b:s11+s2] =	stream.linear.scatter [tilespmem:s2], [sflag:$0x1], $0x10000, $0x38;
	[tilespmem:$0x10000] =	vst v63  }
0x18: {  	s13 =	sadd.s32 $0x20E000, s12;
	s12 =	simm.s32 $0x1  }
0x19: {  	[hbm4b:s13+s2] =	stream.linear.scatter [tilespmem:s2], [sflag:$0x1], $0x10000, $0x38;
	[tilespmem:$0x10000] =	vst v63  }
0x1a: {  	_ =	swait.ge [sflag:s12], $0x10000  }
0x1b: {  	[sflag:s12] =	ssyncset.done $0x0  }
0x1c: {  	[sflag:s12] =	ssyncadd.s32 $0xFFFF0000  }
0x1d: {  	_ =	swait.ge [sflag:s12], $0x10000  }
0x1e: {  	[sflag:s12] =	ssyncset.done $0x0  }
0x1f: {  	[sflag:s12] =	ssyncadd.s32 $0xFFFF0000  }
0x20: {  	_ =	swait.ge [sflag:s12], $0x10000  }
0x21: {  	[sflag:s12] =	ssyncset.done $0x0  }
0x22: {  	[sflag:s12] =	ssyncadd.s32 $0xFFFF0000  }
0x23: {  	_ =	swait.ge [sflag:s12], $0x10000  }
0x24: {  	[sflag:s12] =	ssyncset.done $0x0  }
0x25: {  	[sflag:s12] =	ssyncadd.s32 $0xFFFF0000  }
0x26: {  	_ =	swait.ge [sflag:s12], $0x10000  }
0x27: {  	s14 =	ssub.s32 $0x2, s14;
	[sflag:s12] =	ssyncset.done $0x0  }
0x28: {  	s15 =	sshrl.u32 s14, $0x1;
	[sflag:s12] =	ssyncadd.s32 $0xFFFF0000  }
0x29: {  	s14 =	ssub.s32 s14, s15;
	_ =	swait.ge [sflag:s12], $0x10000  }
0x2a: {  	s14 =	smax.u32 s14, $0x1;
	[sflag:s12] =	ssyncset.done $0x0  }
0x2b: {  	p0 =	sne.s32 s14, $0x1;
	[sflag:s12] =	ssyncadd.s32 $0xFFFF0000  }
.Ltmp0:
0x2c: {  	_ =	swait.ge [sflag:s12], $0x10000;
	(pc) =	sbr.rel @!p0 .LBB2_2-.Ltmp0, $4  }
0x2d: {  	[sflag:s12] =	ssyncset.done $0x0  }
0x2e: {  	[sflag:s12] =	ssyncadd.s32 $0xFFFF0000  }
0x2f: {  	_ =	swait.ge [sflag:s12], $0x10000  }
0x30: {  	s14 =	sadd.s32 $0xFFFFFFFF, s14;
	[sflag:s12] =	ssyncset.done $0x0  }
.LBB2_1:
0x31: {  	p0 =	sne.s32 s14, $0x1;
	s14 =	sadd.s32 $0xFFFFFFFF, s14;
	[sflag:s12] =	ssyncadd.s32 $0xFFFF0000  }
0x32: {  	[tilespmem:s2], [sflag:$0x2] =	stream.linear.gather [hbm4b:s3+s2], $0x10000, $0x38;
	[tilespmem:$0x10000] =	vst v63  }
0x33: {  	_ =	swait.ge [sflag:s4], $0x10000  }
0x34: {  	[sflag:s4] =	ssyncset.done $0x0  }
0x35: {  	[sflag:s4] =	ssyncadd.s32 $0xFFFF0000  }
0x36: {  	[hbm4b:s5+s2] =	stream.linear.scatter [tilespmem:s2], [sflag:$0x1], $0x10000, $0x38;
	[tilespmem:$0x10000] =	vst v63  }
0x37: {  	_ = 	snop  }
0x38: {  	[hbm4b:s6+s2] =	stream.linear.scatter [tilespmem:s2], [sflag:$0x1], $0x10000, $0x38;
	[tilespmem:$0x10000] =	vst v63  }
0x39: {  	_ = 	snop  }
0x3a: {  	[hbm4b:s7+s2] =	stream.linear.scatter [tilespmem:s2], [sflag:$0x1], $0x10000, $0x38;
	[tilespmem:$0x10000] =	vst v63  }
0x3b: {  	_ = 	snop  }
0x3c: {  	[hbm4b:s8+s2] =	stream.linear.scatter [tilespmem:s2], [sflag:$0x1], $0x10000, $0x38;
	[tilespmem:$0x10000] =	vst v63  }
0x3d: {  	_ = 	snop  }
0x3e: {  	[hbm4b:s9+s2] =	stream.linear.scatter [tilespmem:s2], [sflag:$0x1], $0x10000, $0x38;
	[tilespmem:$0x10000] =	vst v63  }
0x3f: {  	_ = 	snop  }
0x40: {  	[hbm4b:s10+s2] =	stream.linear.scatter [tilespmem:s2], [sflag:$0x1], $0x10000, $0x38;
	[tilespmem:$0x10000] =	vst v63  }
0x41: {  	_ = 	snop  }
0x42: {  	[hbm4b:s11+s2] =	stream.linear.scatter [tilespmem:s2], [sflag:$0x1], $0x10000, $0x38;
	[tilespmem:$0x10000] =	vst v63  }
0x43: {  	_ = 	snop  }
0x44: {  	[hbm4b:s13+s2] =	stream.linear.scatter [tilespmem:s2], [sflag:$0x1], $0x10000, $0x38;
	[tilespmem:$0x10000] =	vst v63  }
0x45: {  	_ =	swait.ge [sflag:s12], $0x10000  }
0x46: {  	[sflag:s12] =	ssyncset.done $0x0  }
0x47: {  	[sflag:s12] =	ssyncadd.s32 $0xFFFF0000  }
0x48: {  	_ =	swait.ge [sflag:s12], $0x10000  }
0x49: {  	[sflag:s12] =	ssyncset.done $0x0  }
0x4a: {  	[sflag:s12] =	ssyncadd.s32 $0xFFFF0000  }
0x4b: {  	_ =	swait.ge [sflag:s12], $0x10000  }
0x4c: {  	[sflag:s12] =	ssyncset.done $0x0  }
0x4d: {  	[sflag:s12] =	ssyncadd.s32 $0xFFFF0000  }
0x4e: {  	_ =	swait.ge [sflag:s12], $0x10000  }
0x4f: {  	[sflag:s12] =	ssyncset.done $0x0  }
0x50: {  	[sflag:s12] =	ssyncadd.s32 $0xFFFF0000  }
0x51: {  	_ =	swait.ge [sflag:s12], $0x10000  }
0x52: {  	[sflag:s12] =	ssyncset.done $0x0  }
0x53: {  	[sflag:s12] =	ssyncadd.s32 $0xFFFF0000  }
0x54: {  	_ =	swait.ge [sflag:s12], $0x10000  }
0x55: {  	[sflag:s12] =	ssyncset.done $0x0  }
0x56: {  	[sflag:s12] =	ssyncadd.s32 $0xFFFF0000  }
.Ltmp1:
0x57: {  	_ =	swait.ge [sflag:s12], $0x10000;
	(pc) =	sbr.rel @p0 .LBB2_1-.Ltmp1, $4  }
0x58: {  	[sflag:s12] =	ssyncset.done $0x0  }
0x59: {  	[sflag:s12] =	ssyncadd.s32 $0xFFFF0000  }
0x5a: {  	_ =	swait.ge [sflag:s12], $0x10000  }
0x5b: {  	[sflag:s12] =	ssyncset.done $0x0  }
.LBB2_2:
0x5c: {  	[sflag:s12] =	ssyncadd.s32 $0xFFFF0000  }
0x5d: {  	_ =	sfence.sel $0x180000  }
0x5e: {  	[bflag:$0x0] =	sbarrier.arrive $0xFFFF  }
0x5f: {  	p0 =	sne.s32 s1, $0x0;
	_ =	strace $0x90000047  }
0x60: {  	s0 =	sadd.s32 @!p0 $0x100000, s0;
	[bflag:$0x2] =	sbarrier.arrive $0xFFFF  }
0x61: {  	[sflag:s0] =	ssyncadd.tile.s32 @!p0 $0x1;
	_ =	shalt  }
.Lfunc_end2:
_tile_overlayer_lowered:
.L_overlay_start_2:
0x62: {  	(tag) =	ssettag $0x2  }
0x63: {  	s0 =	rddreg [dreg:$0x0];
	s2 =	stileid.u32  }
0x64: {  	s1 =	rddreg [dreg:$0x1];
	p0 =	sne.s32 s2, $0x0  }
0x65: {  	s3 =	rddreg [dreg:$0x2];
	[bflag:$0x3] =	sbarrier.arrive $0xFFFF;
	s2 =	simm.s32 @!p0 $0x1C02  }
0x66: {  	[timem:s3], [sflag:s2] =	dma.local @!p0 [hbm:s0], s1  }
0x67: {  	s0 =	simm.s32 @!p0 $0x2  }
0x68: {  	_ =	swait.ge @!p0 [sflag:s0], s1  }
0x69: {  	s1 =	ssub.s32 @!p0 $0x0, s1;
	[sflag:s0] =	ssyncset.done @!p0 $0x0  }
0x6a: {  	[sflag:s0] =	ssyncadd.s32 @!p0 s1  }
0x6b: {  	[bflag:$0x3] =	sbarrier.arrive $0xFFFF  }
0x6c: {  	_ =	shalt  }

</sc_bundles>
